<compile_context>
chip_gen: v7x
topology: tpu7x:2x2x1
jax: 0.10.2.dev20260603
libtpu: 0.0.44.dev20260713+nightly
codegen_flags: <defaults>
</compile_context>

<pallas_src>
import functools

import jax
import jax.numpy as jnp
from jax import lax
from jax.experimental import pallas as pl
from jax.experimental.pallas import tpu as pltpu
from jax.experimental.pallas import tpu_sc as plsc



def _conv(x, w, b, stride, pad):
    out = lax.conv_general_dilated(
        x, w, (stride, stride), [(pad, pad), (pad, pad)],
        dimension_numbers=('NCHW', 'OIHW', 'NCHW'))
    if b is not None:
        out = out + b[None, :, None, None]
    return out


def _conv_t(x, w, b, stride=2, pad=1):
    k = w.shape[2]
    p = k - 1 - pad
    wt = jnp.transpose(jnp.flip(w, axis=(2, 3)), (1, 0, 2, 3))
    out = lax.conv_general_dilated(
        x, wt, (1, 1), [(p, p), (p, p)], lhs_dilation=(stride, stride),
        dimension_numbers=('NCHW', 'OIHW', 'NCHW'))
    return out + b[None, :, None, None]


def _bn(x, g, b):
    return x / jnp.sqrt(1.0 + 1e-05) * g[None, :, None, None] + b[None, :, None, None]


def _res_block(x, w1, g1, b1, w2, g2, b2):
    h = jax.nn.relu(x)
    h = _conv(h, w1, None, 1, 1)
    h = _bn(h, g1, b1)
    h = jax.nn.relu(h)
    h = _conv(h, w2, None, 1, 0)
    h = _bn(h, g2, b2)
    return x + h



_T = 256


def _vq_tc_body(n_tok, nb, z_ref, emb_ref, idx0_ref, idx2_ref, stats_ref,
                dd_ref):
    step = pl.program_id(0)
    z = z_ref[...]
    emb = emb_ref[...]
    K = emb.shape[0]
    dn = (((1,), (1,)), ((), ()))

    scores = lax.dot_general(z, emb, dn,
                             preferred_element_type=jnp.float32,
                             precision=lax.Precision.HIGHEST)
    ones_row = jnp.ones((1, emb.shape[1]), jnp.float32)
    e2row = lax.dot_general(ones_row, emb * emb, dn,
                            preferred_element_type=jnp.float32,
                            precision=lax.Precision.HIGHEST)
    dd_ref[...] = e2row - 2.0 * scores
    dd = dd_ref[...]

    col = lax.broadcasted_iota(jnp.int32, (_T, K), 1)
    big = jnp.float32(3.0e38)

    m0 = jnp.min(dd, axis=1, keepdims=True)
    i0 = jnp.min(jnp.where(dd == m0, col, K), axis=1, keepdims=True)
    dd1 = jnp.where(col == i0, big, dd)
    m1 = jnp.min(dd1, axis=1, keepdims=True)
    i1 = jnp.min(jnp.where(dd1 == m1, col, K), axis=1, keepdims=True)
    dd2 = jnp.where(col == i1, big, dd1)
    m2 = jnp.min(dd2, axis=1, keepdims=True)
    i2 = jnp.min(jnp.where(dd2 == m2, col, K), axis=1, keepdims=True)

    idx0_ref[...] = i0.reshape(1, _T, 1)
    idx2_ref[...] = i2.reshape(1, _T, 1)

    z2 = jnp.sum(z * z, axis=1, keepdims=True)
    dmin_sum = jnp.sum(m0 + z2)
    counts = jnp.sum((col == i2).astype(jnp.float32),
                     axis=0, keepdims=True)

    row = lax.broadcasted_iota(jnp.int32, (8, K), 0)
    contrib = jnp.where(row == 0, counts,
                        jnp.where(row == 1, dmin_sum, 0.0))

    @pl.when(step == 0)
    def _():
        stats_ref[...] = contrib

    @pl.when(step != 0)
    def _():
        stats_ref[...] = stats_ref[...] + contrib

    @pl.when(step == nb - 1)
    def _():
        acc = stats_ref[...]
        avg = acc[0:1, :] / jnp.float32(n_tok)
        perp = jnp.exp(-jnp.sum(avg * jnp.log(avg + 1e-10)))
        dtot = jnp.max(acc[1:2, :])
        d_dim = jnp.float32(z.shape[1])
        loss = 0.25 * dtot / (jnp.float32(n_tok) * d_dim)
        out = jnp.where(row == 2, loss, jnp.where(row == 3, perp, acc))
        stats_ref[...] = out


def _vq_distance_topk(flat, emb):
    n_tok, d = flat.shape
    k = emb.shape[0]
    nb = n_tok // _T
    return pl.pallas_call(
        functools.partial(_vq_tc_body, n_tok, nb),
        grid=(nb,),
        in_specs=[
            pl.BlockSpec((_T, d), lambda i: (i, 0)),
            pl.BlockSpec((k, d), lambda i: (0, 0)),
        ],
        out_specs=[
            pl.BlockSpec((1, _T, 1), lambda i: (i, 0, 0)),
            pl.BlockSpec((1, _T, 1), lambda i: (i, 0, 0)),
            pl.BlockSpec((8, k), lambda i: (0, 0)),
        ],
        out_shape=[
            jax.ShapeDtypeStruct((nb, _T, 1), jnp.int32),
            jax.ShapeDtypeStruct((nb, _T, 1), jnp.int32),
            jax.ShapeDtypeStruct((8, k), jnp.float32),
        ],
        scratch_shapes=[pltpu.VMEM((_T, k), jnp.float32)],
    )(flat, emb)



def _sc_gather(table, idx):
    n, = idx.shape
    k, d = table.shape
    info = plsc.get_sparse_core_info()
    nc, ns = info.num_cores, info.num_subcores
    nw = nc * ns
    b_per_w = n // nw
    ch = 112
    n_ch = b_per_w // ch
    mesh = plsc.VectorSubcoreMesh(core_axis_name="c", subcore_axis_name="s")

    k_per_s = k // ns

    @functools.partial(
        pl.kernel, mesh=mesh,
        out_type=jax.ShapeDtypeStruct((n, d), jnp.float32),
        scratch_types=[
            pltpu.VMEM((b_per_w,), jnp.int32),
            pltpu.VMEM((b_per_w, d), jnp.float32),
            pltpu.VMEM_SHARED((k, d), jnp.float32),
            pltpu.SemaphoreType.DMA,
        ],
    )
    def gather_k(table_hbm, idx_hbm, out_hbm, idx_v, rows_v, tab_sh, sem):
        sid = lax.axis_index("s")
        wid = sid * nc + lax.axis_index("c")
        base = wid * b_per_w
        pltpu.sync_copy(table_hbm.at[pl.ds(sid * k_per_s, k_per_s)],
                        tab_sh.at[pl.ds(sid * k_per_s, k_per_s)])
        pltpu.sync_copy(idx_hbm.at[pl.ds(base, b_per_w)], idx_v)
        plsc.subcore_barrier()
        copies = [
            pltpu.async_copy(
                tab_sh.at[idx_v.at[pl.ds(j * ch, ch)]],
                rows_v.at[pl.ds(j * ch, ch)],
                sem,
            )
            for j in range(n_ch)
        ]
        for c in copies:
            c.wait()
        pltpu.sync_copy(rows_v, out_hbm.at[pl.ds(base, b_per_w)])

    return gather_k(table, idx)



def kernel(x, params):
    p = params
    h = jax.nn.relu(_conv(x, p['p_c1_w'], p['p_c1_b'], 2, 1))
    h = jax.nn.relu(_conv(h, p['p_c2_w'], p['p_c2_b'], 2, 1))
    h = _conv(h, p['p_c3_w'], p['p_c3_b'], 1, 1)
    for i in range(2):
        s = 'p_res' + str(i)
        h = _res_block(h, p[s + '_w1'], p[s + '_g1'], p[s + '_b1'],
                       p[s + '_w2'], p[s + '_g2'], p[s + '_b2'])
    h = jax.nn.relu(h)
    z = _conv(h, p['pre_w'], p['pre_b'], 1, 0)

    b, c, hh, ww = z.shape
    n_tok = b * hh * ww
    flat = jnp.transpose(z, (0, 2, 3, 1)).reshape(n_tok, c)
    emb = p['emb']

    idx0, idx2, stats = _vq_distance_topk(flat, emb)
    loss = stats[2, 0]
    perp = stats[3, 0]

    qflat = _sc_gather(emb, idx0.reshape(n_tok))
    q = jnp.transpose(qflat.reshape(b, hh, ww, c), (0, 3, 1, 2))

    d = _conv(q, p['d_c1_w'], p['d_c1_b'], 1, 1)
    for i in range(2):
        s = 'd_res' + str(i)
        d = _res_block(d, p[s + '_w1'], p[s + '_g1'], p[s + '_b1'],
                       p[s + '_w2'], p[s + '_g2'], p[s + '_b2'])
    d = jax.nn.relu(d)
    d = jax.nn.relu(_conv_t(d, p['d_t1_w'], p['d_t1_b'], 2, 1))
    recon = _conv_t(d, p['d_t2_w'], p['d_t2_b'], 2, 1)
    return loss, recon, perp

# --- scband reference (transcript-rebuilt; emitter-appended) ---
"""Pipeline reference for scband-beam-vq-16509854286145 (READ-ONLY COPY).

The authoritative reference and input builder live on the scoring server;
editing this copy changes nothing except your own understanding.
"""

import jax, jax.numpy as jnp
import numpy as np


def _conv(x, w, b, stride, pad):
    out = jax.lax.conv_general_dilated(x, w, (stride, stride), [(pad, pad), (pad, pad)], dimension_numbers=('NCHW', 'OIHW', 'NCHW'))
    if b is not None:
        out = out + b[None, :, None, None]
    return out


def _conv_t(x, w, b, stride=2, pad=1):
    k = w.shape[2]
    p = k - 1 - pad
    wt = jnp.transpose(jnp.flip(w, axis=(2, 3)), (1, 0, 2, 3))
    out = jax.lax.conv_general_dilated(x, wt, (1, 1), [(p, p), (p, p)], lhs_dilation=(stride, stride), dimension_numbers=('NCHW', 'OIHW', 'NCHW'))
    return out + b[None, :, None, None]


def _bn(x, g, b):
    return x / jnp.sqrt(1.0 + 1e-05) * g[None, :, None, None] + b[None, :, None, None]


def _res_block(x, w1, g1, b1, w2, g2, b2):
    h = jax.nn.relu(x)
    h = _conv(h, w1, None, 1, 1)
    h = _bn(h, g1, b1)
    h = jax.nn.relu(h)
    h = _conv(h, w2, None, 1, 0)
    h = _bn(h, g2, b2)
    return x + h


def _vq(z, emb, top_k=3, commitment=0.25):
    zp = jnp.transpose(z, (0, 2, 3, 1))
    shp = zp.shape
    flat = zp.reshape(-1, emb.shape[1])
    d = jnp.sum(flat ** 2, axis=1, keepdims=True) + jnp.sum(emb ** 2, axis=1)[None, :] - 2.0 * (flat @ emb.T)
    neg_d, idx = jax.lax.top_k(-d, top_k)
    qs = [jnp.take(emb, idx[:, i], axis=0).reshape(shp) for i in range(top_k)]
    enc = jax.nn.one_hot(idx[:, top_k - 1], emb.shape[0], dtype=jnp.float32)
    e_loss = jnp.mean((jax.lax.stop_gradient(qs[0]) - zp) ** 2)
    loss = commitment * e_loss
    q = zp + jax.lax.stop_gradient(qs[0] - zp)
    avg = jnp.mean(enc, axis=0)
    perp = jnp.exp(-jnp.sum(avg * jnp.log(avg + 1e-10)))
    return loss, jnp.transpose(q, (0, 3, 1, 2)), perp


def _forward(x, p):
    h = jax.nn.relu(_conv(x, p['p_c1_w'], p['p_c1_b'], 2, 1))
    h = jax.nn.relu(_conv(h, p['p_c2_w'], p['p_c2_b'], 2, 1))
    h = _conv(h, p['p_c3_w'], p['p_c3_b'], 1, 1)
    for i in range(2):
        s = 'p_res' + str(i)
        h = _res_block(h, p[s + '_w1'], p[s + '_g1'], p[s + '_b1'], p[s + '_w2'], p[s + '_g2'], p[s + '_b2'])
    h = jax.nn.relu(h)
    z = _conv(h, p['pre_w'], p['pre_b'], 1, 0)
    loss, q, perp = _vq(z, p['emb'], 3, 0.25)
    d = _conv(q, p['d_c1_w'], p['d_c1_b'], 1, 1)
    for i in range(2):
        s = 'd_res' + str(i)
        d = _res_block(d, p[s + '_w1'], p[s + '_g1'], p[s + '_b1'], p[s + '_w2'], p[s + '_g2'], p[s + '_b2'])
    d = jax.nn.relu(d)
    d = jax.nn.relu(_conv_t(d, p['d_t1_w'], p['d_t1_b'], 2, 1))
    recon = _conv_t(d, p['d_t2_w'], p['d_t2_b'], 2, 1)
    return loss, recon, perp


def setup_inputs():
    keys = jax.random.split(jax.random.key(0), 64)
    ki = [0]
    def nk():
        k = keys[ki[0]]
        ki[0] += 1
        return k
    def w(shape, scale=0.02):
        return jax.random.normal(nk(), shape, dtype=jnp.float32) * scale
    p = {}
    p['p_c1_w'] = w((64, 3, 4, 4)); p['p_c1_b'] = jnp.zeros((64,), jnp.float32)
    p['p_c2_w'] = w((128, 64, 4, 4)); p['p_c2_b'] = jnp.zeros((128,), jnp.float32)
    p['p_c3_w'] = w((128, 128, 3, 3)); p['p_c3_b'] = jnp.zeros((128,), jnp.float32)
    p['pre_w'] = w((128, 128, 1, 1)); p['pre_b'] = jnp.zeros((128,), jnp.float32)
    p['d_c1_w'] = w((128, 128, 3, 3)); p['d_c1_b'] = jnp.zeros((128,), jnp.float32)
    p['d_t1_w'] = w((128, 64, 4, 4)); p['d_t1_b'] = jnp.zeros((64,), jnp.float32)
    p['d_t2_w'] = w((64, 3, 4, 4)); p['d_t2_b'] = jnp.zeros((3,), jnp.float32)
    for pref in ('p', 'd'):
        for i in range(2):
            s = pref + '_res' + str(i)
            p[s + '_w1'] = w((32, 128, 3, 3))
            p[s + '_g1'] = jnp.ones((32,), jnp.float32)
            p[s + '_b1'] = jnp.zeros((32,), jnp.float32)
            p[s + '_w2'] = w((128, 32, 1, 1))
            p[s + '_g2'] = jnp.ones((128,), jnp.float32)
            p[s + '_b2'] = jnp.zeros((128,), jnp.float32)
    p['emb'] = jax.random.normal(nk(), (1024, 128), dtype=jnp.float32)
    x = jax.random.normal(nk(), (8, 3, 224, 224), dtype=jnp.float32)
    return {'x': x, 'params': p}


def reference(x, params):
    return _forward(x, params)

if __name__ == "__main__":
    import jax
    _d = setup_inputs()
    print(jax.jit(kernel)(*tuple(_d.values())))

</pallas_src>

<mosaic_0001>
#map = affine_map<(d0, d1) -> (0, 0)>
#map1 = affine_map<(d0, d1) -> (0)>
module attributes {stable_mosaic.version = 14 : i64} {
  func.func @gather_k(%arg0: i32, %arg1: i32, %arg2: memref<1024x128xf32, #tpu.memory_space<hbm>>, %arg3: memref<25088xi32, #tpu.memory_space<hbm>>, %arg4: memref<25088x128xf32, #tpu.memory_space<hbm>>, %arg5: memref<784xi32, #tpu.memory_space<vmem>>, %arg6: memref<784x128xf32, #tpu.memory_space<vmem>>, %arg7: memref<1024x128xf32, #tpu.memory_space<vmem_shared>>, %arg8: memref<!tpu.dma_semaphore, #tpu.memory_space<semaphore_mem>>) attributes {dimension_semantics = [#tpu.dimension_semantics<core_parallel>, #tpu.dimension_semantics<subcore_parallel>], iteration_bounds = array<i64: 2, 16>, scalar_prefetch = 0 : i64, scratch_operands = 4 : i64, tpu.core_type = #tpu.core_type<sc_vector_subcore>, window_params = [{transform_indices = #map}, {transform_indices = #map1}, {transform_indices = #map}]} {
    %mul3A = arith.constant 2 : i32
    %mul3A_0 = arith.muli %arg1, %mul3A : i32
    %add3A = arith.addi %mul3A_0, %arg0 : i32
    %mul3A_1 = arith.constant 784 : i32
    %mul3A_2 = arith.muli %add3A, %mul3A_1 : i32
    %mul3A_3 = arith.constant 64 : i32
    %mul3A_4 = arith.muli %arg1, %mul3A_3 : i32
    %mul3A_5 = arith.constant 64 : i32
    %mul3A_6 = arith.muli %arg1, %mul3A_5 : i32
    "tpu.region"() ({
      %run_scoped3A = tpu.sem_alloc : memref<!tpu.dma_semaphore, #tpu.memory_space<semaphore_mem>>
      %dma_start3A_117 = arith.constant 0 : i32
      %dma_start3A_118 = tpu.memref_slice %arg7[%mul3A_6, %dma_start3A_117] : memref<1024x128xf32, #tpu.memory_space<vmem_shared>> -> memref<64x128xf32, #tpu.memory_space<vmem_shared>>
      %dma_start3A_119 = arith.constant 0 : i32
      %dma_start3A_120 = tpu.memref_slice %arg2[%mul3A_4, %dma_start3A_119] : memref<1024x128xf32, #tpu.memory_space<hbm>> -> memref<64x128xf32, #tpu.memory_space<hbm>>
      tpu.enqueue_dma source(%dma_start3A_120 : memref<64x128xf32, #tpu.memory_space<hbm>>) target(%dma_start3A_118 : memref<64x128xf32, #tpu.memory_space<vmem_shared>>) target_semaphore(%run_scoped3A : memref<!tpu.dma_semaphore, #tpu.memory_space<semaphore_mem>>)
      %dma_wait3A_121 = arith.constant 0 : i32
      %dma_wait3A_122 = tpu.memref_slice %arg7[%mul3A_6, %dma_wait3A_121] : memref<1024x128xf32, #tpu.memory_space<vmem_shared>> -> memref<64x128xf32, #tpu.memory_space<vmem_shared>>
      %dma_wait3A_123 = arith.constant 0 : i32
      %dma_wait3A_124 = tpu.memref_slice %arg2[%mul3A_4, %dma_wait3A_123] : memref<1024x128xf32, #tpu.memory_space<hbm>> -> memref<64x128xf32, #tpu.memory_space<hbm>>
      tpu.wait_dma2 semaphore(%run_scoped3A : memref<!tpu.dma_semaphore, #tpu.memory_space<semaphore_mem>>) src(%dma_wait3A_124 : memref<64x128xf32, #tpu.memory_space<hbm>>) dst(%dma_wait3A_122 : memref<64x128xf32, #tpu.memory_space<vmem_shared>>)
      tpu.yield
    }) : () -> ()
    "tpu.region"() ({
      %run_scoped3A = tpu.sem_alloc : memref<!tpu.dma_semaphore, #tpu.memory_space<semaphore_mem>>
      %dma_start3A_117 = tpu.memref_slice %arg3[%mul3A_2] : memref<25088xi32, #tpu.memory_space<hbm>> -> memref<784xi32, #tpu.memory_space<hbm>>
      %dma_start3A_118 = tpu.memref_slice %arg3[%mul3A_2] : memref<25088xi32, #tpu.memory_space<hbm>> -> memref<784xi32, #tpu.memory_space<hbm>>
      tpu.enqueue_dma source(%dma_start3A_118 : memref<784xi32, #tpu.memory_space<hbm>>) target(%arg5 : memref<784xi32, #tpu.memory_space<vmem>>) target_semaphore(%run_scoped3A : memref<!tpu.dma_semaphore, #tpu.memory_space<semaphore_mem>>)
      %dma_wait3A_119 = tpu.memref_slice %arg3[%mul3A_2] : memref<25088xi32, #tpu.memory_space<hbm>> -> memref<784xi32, #tpu.memory_space<hbm>>
      %dma_wait3A_120 = tpu.memref_slice %arg3[%mul3A_2] : memref<25088xi32, #tpu.memory_space<hbm>> -> memref<784xi32, #tpu.memory_space<hbm>>
      tpu.wait_dma2 semaphore(%run_scoped3A : memref<!tpu.dma_semaphore, #tpu.memory_space<semaphore_mem>>) src(%dma_wait3A_120 : memref<784xi32, #tpu.memory_space<hbm>>) dst(%arg5 : memref<784xi32, #tpu.memory_space<vmem>>)
      tpu.yield
    }) : () -> ()
    %barrier3A = arith.constant 0 : index
    tpu.barrier barrier_id(%barrier3A)
    %dma_start3A = arith.constant 0 : i32
    %dma_start3A_7 = arith.constant 0 : i32
    %dma_start3A_8 = tpu.memref_slice %arg6[%dma_start3A, %dma_start3A_7] : memref<784x128xf32, #tpu.memory_space<vmem>> -> memref<112x128xf32, #tpu.memory_space<vmem>>
    %dma_start3A_9 = arith.constant 0 : i32
    %dma_start3A_10 = tpu.memref_slice %arg5[%dma_start3A_9] : memref<784xi32, #tpu.memory_space<vmem>> -> memref<112xi32, #tpu.memory_space<vmem>>
    %dma_start3A_11 = arith.constant 0 : i32
    %dma_start3A_12 = arith.constant 0 : i32
    %dma_start3A_13 = tpu.memref_slice %arg7[%dma_start3A_11, %dma_start3A_12] : memref<1024x128xf32, #tpu.memory_space<vmem_shared>> -> memref<1024x128xf32, #tpu.memory_space<vmem_shared>>
    tpu.enqueue_indirect_dma source(%dma_start3A_13 : memref<1024x128xf32, #tpu.memory_space<vmem_shared>>) target(%dma_start3A_8 : memref<112x128xf32, #tpu.memory_space<vmem>>) offsets(%dma_start3A_10 : memref<112xi32, #tpu.memory_space<vmem>>) semaphore(%arg8 : memref<!tpu.dma_semaphore, #tpu.memory_space<semaphore_mem>>)
    %dma_start3A_14 = arith.constant 112 : i32
    %dma_start3A_15 = arith.constant 0 : i32
    %dma_start3A_16 = tpu.memref_slice %arg6[%dma_start3A_14, %dma_start3A_15] : memref<784x128xf32, #tpu.memory_space<vmem>> -> memref<112x128xf32, #tpu.memory_space<vmem>>
    %dma_start3A_17 = arith.constant 112 : i32
    %dma_start3A_18 = tpu.memref_slice %arg5[%dma_start3A_17] : memref<784xi32, #tpu.memory_space<vmem>> -> memref<112xi32, #tpu.memory_space<vmem>>
    %dma_start3A_19 = arith.constant 0 : i32
    %dma_start3A_20 = arith.constant 0 : i32
    %dma_start3A_21 = tpu.memref_slice %arg7[%dma_start3A_19, %dma_start3A_20] : memref<1024x128xf32, #tpu.memory_space<vmem_shared>> -> memref<1024x128xf32, #tpu.memory_space<vmem_shared>>
    tpu.enqueue_indirect_dma source(%dma_start3A_21 : memref<1024x128xf32, #tpu.memory_space<vmem_shared>>) target(%dma_start3A_16 : memref<112x128xf32, #tpu.memory_space<vmem>>) offsets(%dma_start3A_18 : memref<112xi32, #tpu.memory_space<vmem>>) semaphore(%arg8 : memref<!tpu.dma_semaphore, #tpu.memory_space<semaphore_mem>>)
    %dma_start3A_22 = arith.constant 224 : i32
    %dma_start3A_23 = arith.constant 0 : i32
    %dma_start3A_24 = tpu.memref_slice %arg6[%dma_start3A_22, %dma_start3A_23] : memref<784x128xf32, #tpu.memory_space<vmem>> -> memref<112x128xf32, #tpu.memory_space<vmem>>
    %dma_start3A_25 = arith.constant 224 : i32
    %dma_start3A_26 = tpu.memref_slice %arg5[%dma_start3A_25] : memref<784xi32, #tpu.memory_space<vmem>> -> memref<112xi32, #tpu.memory_space<vmem>>
    %dma_start3A_27 = arith.constant 0 : i32
    %dma_start3A_28 = arith.constant 0 : i32
    %dma_start3A_29 = tpu.memref_slice %arg7[%dma_start3A_27, %dma_start3A_28] : memref<1024x128xf32, #tpu.memory_space<vmem_shared>> -> memref<1024x128xf32, #tpu.memory_space<vmem_shared>>
    tpu.enqueue_indirect_dma source(%dma_start3A_29 : memref<1024x128xf32, #tpu.memory_space<vmem_shared>>) target(%dma_start3A_24 : memref<112x128xf32, #tpu.memory_space<vmem>>) offsets(%dma_start3A_26 : memref<112xi32, #tpu.memory_space<vmem>>) semaphore(%arg8 : memref<!tpu.dma_semaphore, #tpu.memory_space<semaphore_mem>>)
    %dma_start3A_30 = arith.constant 336 : i32
    %dma_start3A_31 = arith.constant 0 : i32
    %dma_start3A_32 = tpu.memref_slice %arg6[%dma_start3A_30, %dma_start3A_31] : memref<784x128xf32, #tpu.memory_space<vmem>> -> memref<112x128xf32, #tpu.memory_space<vmem>>
    %dma_start3A_33 = arith.constant 336 : i32
    %dma_start3A_34 = tpu.memref_slice %arg5[%dma_start3A_33] : memref<784xi32, #tpu.memory_space<vmem>> -> memref<112xi32, #tpu.memory_space<vmem>>
    %dma_start3A_35 = arith.constant 0 : i32
    %dma_start3A_36 = arith.constant 0 : i32
    %dma_start3A_37 = tpu.memref_slice %arg7[%dma_start3A_35, %dma_start3A_36] : memref<1024x128xf32, #tpu.memory_space<vmem_shared>> -> memref<1024x128xf32, #tpu.memory_space<vmem_shared>>
    tpu.enqueue_indirect_dma source(%dma_start3A_37 : memref<1024x128xf32, #tpu.memory_space<vmem_shared>>) target(%dma_start3A_32 : memref<112x128xf32, #tpu.memory_space<vmem>>) offsets(%dma_start3A_34 : memref<112xi32, #tpu.memory_space<vmem>>) semaphore(%arg8 : memref<!tpu.dma_semaphore, #tpu.memory_space<semaphore_mem>>)
    %dma_start3A_38 = arith.constant 448 : i32
    %dma_start3A_39 = arith.constant 0 : i32
    %dma_start3A_40 = tpu.memref_slice %arg6[%dma_start3A_38, %dma_start3A_39] : memref<784x128xf32, #tpu.memory_space<vmem>> -> memref<112x128xf32, #tpu.memory_space<vmem>>
    %dma_start3A_41 = arith.constant 448 : i32
    %dma_start3A_42 = tpu.memref_slice %arg5[%dma_start3A_41] : memref<784xi32, #tpu.memory_space<vmem>> -> memref<112xi32, #tpu.memory_space<vmem>>
    %dma_start3A_43 = arith.constant 0 : i32
    %dma_start3A_44 = arith.constant 0 : i32
    %dma_start3A_45 = tpu.memref_slice %arg7[%dma_start3A_43, %dma_start3A_44] : memref<1024x128xf32, #tpu.memory_space<vmem_shared>> -> memref<1024x128xf32, #tpu.memory_space<vmem_shared>>
    tpu.enqueue_indirect_dma source(%dma_start3A_45 : memref<1024x128xf32, #tpu.memory_space<vmem_shared>>) target(%dma_start3A_40 : memref<112x128xf32, #tpu.memory_space<vmem>>) offsets(%dma_start3A_42 : memref<112xi32, #tpu.memory_space<vmem>>) semaphore(%arg8 : memref<!tpu.dma_semaphore, #tpu.memory_space<semaphore_mem>>)
    %dma_start3A_46 = arith.constant 560 : i32
    %dma_start3A_47 = arith.constant 0 : i32
    %dma_start3A_48 = tpu.memref_slice %arg6[%dma_start3A_46, %dma_start3A_47] : memref<784x128xf32, #tpu.memory_space<vmem>> -> memref<112x128xf32, #tpu.memory_space<vmem>>
    %dma_start3A_49 = arith.constant 560 : i32
    %dma_start3A_50 = tpu.memref_slice %arg5[%dma_start3A_49] : memref<784xi32, #tpu.memory_space<vmem>> -> memref<112xi32, #tpu.memory_space<vmem>>
    %dma_start3A_51 = arith.constant 0 : i32
    %dma_start3A_52 = arith.constant 0 : i32
    %dma_start3A_53 = tpu.memref_slice %arg7[%dma_start3A_51, %dma_start3A_52] : memref<1024x128xf32, #tpu.memory_space<vmem_shared>> -> memref<1024x128xf32, #tpu.memory_space<vmem_shared>>
    tpu.enqueue_indirect_dma source(%dma_start3A_53 : memref<1024x128xf32, #tpu.memory_space<vmem_shared>>) target(%dma_start3A_48 : memref<112x128xf32, #tpu.memory_space<vmem>>) offsets(%dma_start3A_50 : memref<112xi32, #tpu.memory_space<vmem>>) semaphore(%arg8 : memref<!tpu.dma_semaphore, #tpu.memory_space<semaphore_mem>>)
    %dma_start3A_54 = arith.constant 672 : i32
    %dma_start3A_55 = arith.constant 0 : i32
    %dma_start3A_56 = tpu.memref_slice %arg6[%dma_start3A_54, %dma_start3A_55] : memref<784x128xf32, #tpu.memory_space<vmem>> -> memref<112x128xf32, #tpu.memory_space<vmem>>
    %dma_start3A_57 = arith.constant 672 : i32
    %dma_start3A_58 = tpu.memref_slice %arg5[%dma_start3A_57] : memref<784xi32, #tpu.memory_space<vmem>> -> memref<112xi32, #tpu.memory_space<vmem>>
    %dma_start3A_59 = arith.constant 0 : i32
    %dma_start3A_60 = arith.constant 0 : i32
    %dma_start3A_61 = tpu.memref_slice %arg7[%dma_start3A_59, %dma_start3A_60] : memref<1024x128xf32, #tpu.memory_space<vmem_shared>> -> memref<1024x128xf32, #tpu.memory_space<vmem_shared>>
    tpu.enqueue_indirect_dma source(%dma_start3A_61 : memref<1024x128xf32, #tpu.memory_space<vmem_shared>>) target(%dma_start3A_56 : memref<112x128xf32, #tpu.memory_space<vmem>>) offsets(%dma_start3A_58 : memref<112xi32, #tpu.memory_space<vmem>>) semaphore(%arg8 : memref<!tpu.dma_semaphore, #tpu.memory_space<semaphore_mem>>)
    %dma_wait3A = arith.constant 0 : i32
    %dma_wait3A_62 = arith.constant 0 : i32
    %dma_wait3A_63 = tpu.memref_slice %arg6[%dma_wait3A, %dma_wait3A_62] : memref<784x128xf32, #tpu.memory_space<vmem>> -> memref<112x128xf32, #tpu.memory_space<vmem>>
    %dma_wait3A_64 = arith.constant 0 : i32
    %dma_wait3A_65 = tpu.memref_slice %arg5[%dma_wait3A_64] : memref<784xi32, #tpu.memory_space<vmem>> -> memref<112xi32, #tpu.memory_space<vmem>>
    %dma_wait3A_66 = arith.constant 0 : i32
    %dma_wait3A_67 = arith.constant 0 : i32
    %dma_wait3A_68 = tpu.memref_slice %arg7[%dma_wait3A_66, %dma_wait3A_67] : memref<1024x128xf32, #tpu.memory_space<vmem_shared>> -> memref<1024x128xf32, #tpu.memory_space<vmem_shared>>
    tpu.wait_indirect_dma semaphore(%arg8 : memref<!tpu.dma_semaphore, #tpu.memory_space<semaphore_mem>>) src(%dma_wait3A_68 : memref<1024x128xf32, #tpu.memory_space<vmem_shared>>) dst(%dma_wait3A_63 : memref<112x128xf32, #tpu.memory_space<vmem>>)
    %dma_wait3A_69 = arith.constant 112 : i32
    %dma_wait3A_70 = arith.constant 0 : i32
    %dma_wait3A_71 = tpu.memref_slice %arg6[%dma_wait3A_69, %dma_wait3A_70] : memref<784x128xf32, #tpu.memory_space<vmem>> -> memref<112x128xf32, #tpu.memory_space<vmem>>
    %dma_wait3A_72 = arith.constant 112 : i32
    %dma_wait3A_73 = tpu.memref_slice %arg5[%dma_wait3A_72] : memref<784xi32, #tpu.memory_space<vmem>> -> memref<112xi32, #tpu.memory_space<vmem>>
    %dma_wait3A_74 = arith.constant 0 : i32
    %dma_wait3A_75 = arith.constant 0 : i32
    %dma_wait3A_76 = tpu.memref_slice %arg7[%dma_wait3A_74, %dma_wait3A_75] : memref<1024x128xf32, #tpu.memory_space<vmem_shared>> -> memref<1024x128xf32, #tpu.memory_space<vmem_shared>>
    tpu.wait_indirect_dma semaphore(%arg8 : memref<!tpu.dma_semaphore, #tpu.memory_space<semaphore_mem>>) src(%dma_wait3A_76 : memref<1024x128xf32, #tpu.memory_space<vmem_shared>>) dst(%dma_wait3A_71 : memref<112x128xf32, #tpu.memory_space<vmem>>)
    %dma_wait3A_77 = arith.constant 224 : i32
    %dma_wait3A_78 = arith.constant 0 : i32
    %dma_wait3A_79 = tpu.memref_slice %arg6[%dma_wait3A_77, %dma_wait3A_78] : memref<784x128xf32, #tpu.memory_space<vmem>> -> memref<112x128xf32, #tpu.memory_space<vmem>>
    %dma_wait3A_80 = arith.constant 224 : i32
    %dma_wait3A_81 = tpu.memref_slice %arg5[%dma_wait3A_80] : memref<784xi32, #tpu.memory_space<vmem>> -> memref<112xi32, #tpu.memory_space<vmem>>
    %dma_wait3A_82 = arith.constant 0 : i32
    %dma_wait3A_83 = arith.constant 0 : i32
    %dma_wait3A_84 = tpu.memref_slice %arg7[%dma_wait3A_82, %dma_wait3A_83] : memref<1024x128xf32, #tpu.memory_space<vmem_shared>> -> memref<1024x128xf32, #tpu.memory_space<vmem_shared>>
    tpu.wait_indirect_dma semaphore(%arg8 : memref<!tpu.dma_semaphore, #tpu.memory_space<semaphore_mem>>) src(%dma_wait3A_84 : memref<1024x128xf32, #tpu.memory_space<vmem_shared>>) dst(%dma_wait3A_79 : memref<112x128xf32, #tpu.memory_space<vmem>>)
    %dma_wait3A_85 = arith.constant 336 : i32
    %dma_wait3A_86 = arith.constant 0 : i32
    %dma_wait3A_87 = tpu.memref_slice %arg6[%dma_wait3A_85, %dma_wait3A_86] : memref<784x128xf32, #tpu.memory_space<vmem>> -> memref<112x128xf32, #tpu.memory_space<vmem>>
    %dma_wait3A_88 = arith.constant 336 : i32
    %dma_wait3A_89 = tpu.memref_slice %arg5[%dma_wait3A_88] : memref<784xi32, #tpu.memory_space<vmem>> -> memref<112xi32, #tpu.memory_space<vmem>>
    %dma_wait3A_90 = arith.constant 0 : i32
    %dma_wait3A_91 = arith.constant 0 : i32
    %dma_wait3A_92 = tpu.memref_slice %arg7[%dma_wait3A_90, %dma_wait3A_91] : memref<1024x128xf32, #tpu.memory_space<vmem_shared>> -> memref<1024x128xf32, #tpu.memory_space<vmem_shared>>
    tpu.wait_indirect_dma semaphore(%arg8 : memref<!tpu.dma_semaphore, #tpu.memory_space<semaphore_mem>>) src(%dma_wait3A_92 : memref<1024x128xf32, #tpu.memory_space<vmem_shared>>) dst(%dma_wait3A_87 : memref<112x128xf32, #tpu.memory_space<vmem>>)
    %dma_wait3A_93 = arith.constant 448 : i32
    %dma_wait3A_94 = arith.constant 0 : i32
    %dma_wait3A_95 = tpu.memref_slice %arg6[%dma_wait3A_93, %dma_wait3A_94] : memref<784x128xf32, #tpu.memory_space<vmem>> -> memref<112x128xf32, #tpu.memory_space<vmem>>
    %dma_wait3A_96 = arith.constant 448 : i32
    %dma_wait3A_97 = tpu.memref_slice %arg5[%dma_wait3A_96] : memref<784xi32, #tpu.memory_space<vmem>> -> memref<112xi32, #tpu.memory_space<vmem>>
    %dma_wait3A_98 = arith.constant 0 : i32
    %dma_wait3A_99 = arith.constant 0 : i32
    %dma_wait3A_100 = tpu.memref_slice %arg7[%dma_wait3A_98, %dma_wait3A_99] : memref<1024x128xf32, #tpu.memory_space<vmem_shared>> -> memref<1024x128xf32, #tpu.memory_space<vmem_shared>>
    tpu.wait_indirect_dma semaphore(%arg8 : memref<!tpu.dma_semaphore, #tpu.memory_space<semaphore_mem>>) src(%dma_wait3A_100 : memref<1024x128xf32, #tpu.memory_space<vmem_shared>>) dst(%dma_wait3A_95 : memref<112x128xf32, #tpu.memory_space<vmem>>)
    %dma_wait3A_101 = arith.constant 560 : i32
    %dma_wait3A_102 = arith.constant 0 : i32
    %dma_wait3A_103 = tpu.memref_slice %arg6[%dma_wait3A_101, %dma_wait3A_102] : memref<784x128xf32, #tpu.memory_space<vmem>> -> memref<112x128xf32, #tpu.memory_space<vmem>>
    %dma_wait3A_104 = arith.constant 560 : i32
    %dma_wait3A_105 = tpu.memref_slice %arg5[%dma_wait3A_104] : memref<784xi32, #tpu.memory_space<vmem>> -> memref<112xi32, #tpu.memory_space<vmem>>
    %dma_wait3A_106 = arith.constant 0 : i32
    %dma_wait3A_107 = arith.constant 0 : i32
    %dma_wait3A_108 = tpu.memref_slice %arg7[%dma_wait3A_106, %dma_wait3A_107] : memref<1024x128xf32, #tpu.memory_space<vmem_shared>> -> memref<1024x128xf32, #tpu.memory_space<vmem_shared>>
    tpu.wait_indirect_dma semaphore(%arg8 : memref<!tpu.dma_semaphore, #tpu.memory_space<semaphore_mem>>) src(%dma_wait3A_108 : memref<1024x128xf32, #tpu.memory_space<vmem_shared>>) dst(%dma_wait3A_103 : memref<112x128xf32, #tpu.memory_space<vmem>>)
    %dma_wait3A_109 = arith.constant 672 : i32
    %dma_wait3A_110 = arith.constant 0 : i32
    %dma_wait3A_111 = tpu.memref_slice %arg6[%dma_wait3A_109, %dma_wait3A_110] : memref<784x128xf32, #tpu.memory_space<vmem>> -> memref<112x128xf32, #tpu.memory_space<vmem>>
    %dma_wait3A_112 = arith.constant 672 : i32
    %dma_wait3A_113 = tpu.memref_slice %arg5[%dma_wait3A_112] : memref<784xi32, #tpu.memory_space<vmem>> -> memref<112xi32, #tpu.memory_space<vmem>>
    %dma_wait3A_114 = arith.constant 0 : i32
    %dma_wait3A_115 = arith.constant 0 : i32
    %dma_wait3A_116 = tpu.memref_slice %arg7[%dma_wait3A_114, %dma_wait3A_115] : memref<1024x128xf32, #tpu.memory_space<vmem_shared>> -> memref<1024x128xf32, #tpu.memory_space<vmem_shared>>
    tpu.wait_indirect_dma semaphore(%arg8 : memref<!tpu.dma_semaphore, #tpu.memory_space<semaphore_mem>>) src(%dma_wait3A_116 : memref<1024x128xf32, #tpu.memory_space<vmem_shared>>) dst(%dma_wait3A_111 : memref<112x128xf32, #tpu.memory_space<vmem>>)
    "tpu.region"() ({
      %run_scoped3A = tpu.sem_alloc : memref<!tpu.dma_semaphore, #tpu.memory_space<semaphore_mem>>
      %dma_start3A_117 = arith.constant 0 : i32
      %dma_start3A_118 = tpu.memref_slice %arg4[%mul3A_2, %dma_start3A_117] : memref<25088x128xf32, #tpu.memory_space<hbm>> -> memref<784x128xf32, #tpu.memory_space<hbm>>
      %dma_start3A_119 = arith.constant 0 : i32
      %dma_start3A_120 = tpu.memref_slice %arg4[%mul3A_2, %dma_start3A_119] : memref<25088x128xf32, #tpu.memory_space<hbm>> -> memref<784x128xf32, #tpu.memory_space<hbm>>
      tpu.enqueue_dma source(%arg6 : memref<784x128xf32, #tpu.memory_space<vmem>>) target(%dma_start3A_120 : memref<784x128xf32, #tpu.memory_space<hbm>>) target_semaphore(%run_scoped3A : memref<!tpu.dma_semaphore, #tpu.memory_space<semaphore_mem>>)
      %dma_wait3A_121 = arith.constant 0 : i32
      %dma_wait3A_122 = tpu.memref_slice %arg4[%mul3A_2, %dma_wait3A_121] : memref<25088x128xf32, #tpu.memory_space<hbm>> -> memref<784x128xf32, #tpu.memory_space<hbm>>
      %dma_wait3A_123 = arith.constant 0 : i32
      %dma_wait3A_124 = tpu.memref_slice %arg4[%mul3A_2, %dma_wait3A_123] : memref<25088x128xf32, #tpu.memory_space<hbm>> -> memref<784x128xf32, #tpu.memory_space<hbm>>
      tpu.wait_dma2 semaphore(%run_scoped3A : memref<!tpu.dma_semaphore, #tpu.memory_space<semaphore_mem>>) src(%arg6 : memref<784x128xf32, #tpu.memory_space<vmem>>) dst(%dma_wait3A_124 : memref<784x128xf32, #tpu.memory_space<hbm>>)
      tpu.yield
    }) : () -> ()
    return
  }
}

module attributes {stable_mosaic.version = 14 : i64} {
  func.func @_vq_tc_body(%arg0: i32, %arg1: memref<256x128xf32, #tpu.memory_space<vmem>>, %arg2: memref<1024x128xf32, #tpu.memory_space<vmem>>, %arg3: memref<1x256x1xi32, #tpu.memory_space<vmem>>, %arg4: memref<1x256x1xi32, #tpu.memory_space<vmem>>, %arg5: memref<8x1024xf32, #tpu.memory_space<vmem>>, %arg6: memref<256x1024xf32, #tpu.memory_space<vmem>>) attributes {dimension_semantics = [#tpu.dimension_semantics<arbitrary>], iteration_bounds = array<i64: 98>, scalar_prefetch = 0 : i64, scratch_operands = 1 : i64, tpu.core_type = #tpu.core_type<tc>, window_params = [{transform_indices = @transform_0, window_bounds = array<i64: 256, 128>}, {pipeline_mode = #tpu.pipeline_mode<synchronous>, transform_indices = @transform_1, window_bounds = array<i64: 1024, 128>}, {transform_indices = @transform_2, window_bounds = array<i64: 1, 256, 1>}, {transform_indices = @transform_3, window_bounds = array<i64: 1, 256, 1>}, {pipeline_mode = #tpu.pipeline_mode<synchronous>, transform_indices = @transform_4, window_bounds = array<i64: 8, 1024>}]} {
    %get3A = arith.constant 0 : index
    %get3A_0 = arith.constant 0 : index
    %get3A_1 = vector.load %arg1[%get3A, %get3A_0] : memref<256x128xf32, #tpu.memory_space<vmem>>, vector<256x128xf32>
    %get3A_2 = arith.constant 0 : index
    %get3A_3 = arith.constant 0 : index
    %get3A_4 = vector.load %arg2[%get3A_2, %get3A_3] : memref<1024x128xf32, #tpu.memory_space<vmem>>, vector<1024x128xf32>
    %dot_general3A = arith.constant dense<0.000000e+00> : vector<256x1024xf32>
    %dot_general3A_5 = tpu.matmul %get3A_1, %get3A_4, %dot_general3A {dimension_numbers = #tpu.dot_dimension_numbers<[1], [1], [0], [0], [0, 0, 1, 0], [], []>, precision = #tpu.contract_precision<fp32>, transpose_lhs_hint = false} : vector<256x128xf32>, vector<1024x128xf32>, vector<256x1024xf32> -> vector<256x1024xf32>
    %broadcast_in_dim3A = arith.constant 1.000000e+00 : f32
    %broadcast_in_dim3A_6 = vector.broadcast %broadcast_in_dim3A : f32 to vector<1x128xf32>
    %mul3A = arith.mulf %get3A_4, %get3A_4 : vector<1024x128xf32>
    %dot_general3A_7 = arith.constant dense<0.000000e+00> : vector<1x1024xf32>
    %dot_general3A_8 = tpu.matmul %broadcast_in_dim3A_6, %mul3A, %dot_general3A_7 {dimension_numbers = #tpu.dot_dimension_numbers<[1], [1], [0], [0], [0, 0, 1, 0], [], []>, precision = #tpu.contract_precision<fp32>, transpose_lhs_hint = false} : vector<1x128xf32>, vector<1024x128xf32>, vector<1x1024xf32> -> vector<1x1024xf32>
    %mul3A_9 = arith.constant 2.000000e+00 : f32
    %mul3A_10 = vector.broadcast %mul3A_9 : f32 to vector<256x1024xf32>
    %mul3A_11 = arith.mulf %mul3A_10, %dot_general3A_5 : vector<256x1024xf32>
    %sub3A = vector.broadcast %dot_general3A_8 : vector<1x1024xf32> to vector<256x1024xf32>
    %sub3A_12 = arith.subf %sub3A, %mul3A_11 : vector<256x1024xf32>
    %swap3A = arith.constant 0 : index
    %swap3A_13 = arith.constant 0 : index
    %swap3A_14 = vector.load %arg6[%swap3A, %swap3A_13] : memref<256x1024xf32, #tpu.memory_space<vmem>>, vector<256x1024xf32>
    tpu.vector_store %arg6[%swap3A, %swap3A_13], %sub3A_12 {strides = array<i32>} : memref<256x1024xf32, #tpu.memory_space<vmem>>, vector<256x1024xf32>,
    %get3A_15 = arith.constant 0 : index
    %get3A_16 = arith.constant 0 : index
    %get3A_17 = vector.load %arg6[%get3A_15, %get3A_16] : memref<256x1024xf32, #tpu.memory_space<vmem>>, vector<256x1024xf32>
    %iota3A = tpu.iota {dimensions = array<i32: 1>} : vector<256x1024xi32>
    %reduce_min3A = arith.constant dense<0x7F800000> : vector<256xf32>
    %reduce_min3A_18 = vector.multi_reduction <minimumf>, %get3A_17, %reduce_min3A [1] : vector<256x1024xf32> to vector<256xf32>
    %broadcast_in_dim3A_19 = vector.shape_cast %reduce_min3A_18 : vector<256xf32> to vector<256x1xf32>
    %eq3A = vector.broadcast %broadcast_in_dim3A_19 : vector<256x1xf32> to vector<256x1024xf32>
    %eq3A_20 = arith.cmpf oeq, %get3A_17, %eq3A : vector<256x1024xf32>
    %jit3A = arith.constant 1024 : i32
    %broadcast_in_dim3A_21 = vector.broadcast %jit3A : i32 to vector<256x1024xi32>
    %select_n3A = arith.select %eq3A_20, %iota3A, %broadcast_in_dim3A_21 : vector<256x1024xi1>, vector<256x1024xi32>
    %reduce_min3A_22 = arith.constant dense<2147483647> : vector<256xi32>
    %reduce_min3A_23 = vector.multi_reduction <minsi>, %select_n3A, %reduce_min3A_22 [1] : vector<256x1024xi32> to vector<256xi32>
    %broadcast_in_dim3A_24 = vector.shape_cast %reduce_min3A_23 : vector<256xi32> to vector<256x1xi32>
    %eq3A_25 = vector.broadcast %broadcast_in_dim3A_24 : vector<256x1xi32> to vector<256x1024xi32>
    %eq3A_26 = arith.cmpi eq, %iota3A, %eq3A_25 : vector<256x1024xi32>
    %jit3A_27 = arith.constant 3.000000e+38 : f32
    %broadcast_in_dim3A_28 = vector.broadcast %jit3A_27 : f32 to vector<256x1024xf32>
    %select_n3A_29 = arith.select %eq3A_26, %broadcast_in_dim3A_28, %get3A_17 : vector<256x1024xi1>, vector<256x1024xf32>
    %reduce_min3A_30 = arith.constant dense<0x7F800000> : vector<256xf32>
    %reduce_min3A_31 = vector.multi_reduction <minimumf>, %select_n3A_29, %reduce_min3A_30 [1] : vector<256x1024xf32> to vector<256xf32>
    %broadcast_in_dim3A_32 = vector.shape_cast %reduce_min3A_31 : vector<256xf32> to vector<256x1xf32>
    %eq3A_33 = vector.broadcast %broadcast_in_dim3A_32 : vector<256x1xf32> to vector<256x1024xf32>
    %eq3A_34 = arith.cmpf oeq, %select_n3A_29, %eq3A_33 : vector<256x1024xf32>
    %jit3A_35 = arith.constant 1024 : i32
    %broadcast_in_dim3A_36 = vector.broadcast %jit3A_35 : i32 to vector<256x1024xi32>
    %select_n3A_37 = arith.select %eq3A_34, %iota3A, %broadcast_in_dim3A_36 : vector<256x1024xi1>, vector<256x1024xi32>
    %reduce_min3A_38 = arith.constant dense<2147483647> : vector<256xi32>
    %reduce_min3A_39 = vector.multi_reduction <minsi>, %select_n3A_37, %reduce_min3A_38 [1] : vector<256x1024xi32> to vector<256xi32>
    %broadcast_in_dim3A_40 = vector.shape_cast %reduce_min3A_39 : vector<256xi32> to vector<256x1xi32>
    %eq3A_41 = vector.broadcast %broadcast_in_dim3A_40 : vector<256x1xi32> to vector<256x1024xi32>
    %eq3A_42 = arith.cmpi eq, %iota3A, %eq3A_41 : vector<256x1024xi32>
    %jit3A_43 = arith.constant 3.000000e+38 : f32
    %broadcast_in_dim3A_44 = vector.broadcast %jit3A_43 : f32 to vector<256x1024xf32>
    %select_n3A_45 = arith.select %eq3A_42, %broadcast_in_dim3A_44, %select_n3A_29 : vector<256x1024xi1>, vector<256x1024xf32>
    %reduce_min3A_46 = arith.constant dense<0x7F800000> : vector<256xf32>
    %reduce_min3A_47 = vector.multi_reduction <minimumf>, %select_n3A_45, %reduce_min3A_46 [1] : vector<256x1024xf32> to vector<256xf32>
    %broadcast_in_dim3A_48 = vector.shape_cast %reduce_min3A_47 : vector<256xf32> to vector<256x1xf32>
    %eq3A_49 = vector.broadcast %broadcast_in_dim3A_48 : vector<256x1xf32> to vector<256x1024xf32>
    %eq3A_50 = arith.cmpf oeq, %select_n3A_45, %eq3A_49 : vector<256x1024xf32>
    %jit3A_51 = arith.constant 1024 : i32
    %broadcast_in_dim3A_52 = vector.broadcast %jit3A_51 : i32 to vector<256x1024xi32>
    %select_n3A_53 = arith.select %eq3A_50, %iota3A, %broadcast_in_dim3A_52 : vector<256x1024xi1>, vector<256x1024xi32>
    %reduce_min3A_54 = arith.constant dense<2147483647> : vector<256xi32>
    %reduce_min3A_55 = vector.multi_reduction <minsi>, %select_n3A_53, %reduce_min3A_54 [1] : vector<256x1024xi32> to vector<256xi32>
    %broadcast_in_dim3A_56 = vector.shape_cast %reduce_min3A_55 : vector<256xi32> to vector<256x1xi32>
    %reshape3A = vector.shape_cast %broadcast_in_dim3A_24 : vector<256x1xi32> to vector<1x256x1xi32>
    %swap3A_57 = arith.constant 0 : index
    %swap3A_58 = arith.constant 0 : index
    %swap3A_59 = arith.constant 0 : index
    %swap3A_60 = vector.load %arg3[%swap3A_57, %swap3A_58, %swap3A_59] : memref<1x256x1xi32, #tpu.memory_space<vmem>>, vector<1x256x1xi32>
    tpu.vector_store %arg3[%swap3A_57, %swap3A_58, %swap3A_59], %reshape3A {strides = array<i32>} : memref<1x256x1xi32, #tpu.memory_space<vmem>>, vector<1x256x1xi32>,
    %reshape3A_61 = vector.shape_cast %broadcast_in_dim3A_56 : vector<256x1xi32> to vector<1x256x1xi32>
    %swap3A_62 = arith.constant 0 : index
    %swap3A_63 = arith.constant 0 : index
    %swap3A_64 = arith.constant 0 : index
    %swap3A_65 = vector.load %arg4[%swap3A_62, %swap3A_63, %swap3A_64] : memref<1x256x1xi32, #tpu.memory_space<vmem>>, vector<1x256x1xi32>
    tpu.vector_store %arg4[%swap3A_62, %swap3A_63, %swap3A_64], %reshape3A_61 {strides = array<i32>} : memref<1x256x1xi32, #tpu.memory_space<vmem>>, vector<1x256x1xi32>,
    %mul3A_66 = arith.mulf %get3A_1, %get3A_1 : vector<256x128xf32>
    %reduce_sum3A = arith.constant dense<0.000000e+00> : vector<256xf32>
    %reduce_sum3A_67 = vector.multi_reduction <add>, %mul3A_66, %reduce_sum3A [1] : vector<256x128xf32> to vector<256xf32>
    %broadcast_in_dim3A_68 = vector.shape_cast %reduce_sum3A_67 : vector<256xf32> to vector<256x1xf32>
    %add3A = arith.addf %broadcast_in_dim3A_19, %broadcast_in_dim3A_68 : vector<256x1xf32>
    %reduce_sum3A_69 = vector.shape_cast %add3A : vector<256x1xf32> to vector<1x256x1xf32>
    %reduce_sum3A_70 = arith.constant dense<0.000000e+00> : vector<1xf32>
    %reduce_sum3A_71 = vector.multi_reduction <add>, %reduce_sum3A_69, %reduce_sum3A_70 [1, 2] : vector<1x256x1xf32> to vector<1xf32>
    %reduce_sum3A_72 = vector.shape_cast %reduce_sum3A_71 : vector<1xf32> to vector<1x1x1xf32>
    %reduce_sum3A_73 = vector.extract %reduce_sum3A_72[0, 0, 0] : f32 from vector<1x1x1xf32>
    %eq3A_74 = vector.broadcast %broadcast_in_dim3A_56 : vector<256x1xi32> to vector<256x1024xi32>
    %eq3A_75 = arith.cmpi eq, %iota3A, %eq3A_74 : vector<256x1024xi32>
    %convert_element_type3A = arith.extui %eq3A_75 : vector<256x1024xi1> to vector<256x1024xi32>
    %convert_element_type3A_76 = arith.sitofp %convert_element_type3A : vector<256x1024xi32> to vector<256x1024xf32>
    %reduce_sum3A_77 = arith.constant dense<0.000000e+00> : vector<1024xf32>
    %reduce_sum3A_78 = vector.multi_reduction <add>, %convert_element_type3A_76, %reduce_sum3A_77 [0] : vector<256x1024xf32> to vector<1024xf32>
    %broadcast_in_dim3A_79 = vector.shape_cast %reduce_sum3A_78 : vector<1024xf32> to vector<1x1024xf32>
    %iota3A_80 = tpu.iota {dimensions = array<i32: 0>} : vector<8x1024xi32>
    %eq3A_81 = arith.constant 0 : i32
    %eq3A_82 = vector.broadcast %eq3A_81 : i32 to vector<8x1024xi32>
    %eq3A_83 = arith.cmpi eq, %iota3A_80, %eq3A_82 : vector<8x1024xi32>
    %eq3A_84 = arith.constant 1 : i32
    %eq3A_85 = vector.broadcast %eq3A_84 : i32 to vector<8x1024xi32>
    %eq3A_86 = arith.cmpi eq, %iota3A_80, %eq3A_85 : vector<8x1024xi32>
    %jit3A_87 = arith.constant 0.000000e+00 : f32
    %broadcast_in_dim3A_88 = vector.broadcast %reduce_sum3A_73 : f32 to vector<8x1024xf32>
    %broadcast_in_dim3A_89 = vector.broadcast %jit3A_87 : f32 to vector<8x1024xf32>
    %select_n3A_90 = arith.select %eq3A_86, %broadcast_in_dim3A_88, %broadcast_in_dim3A_89 : vector<8x1024xi1>, vector<8x1024xf32>
    %broadcast_in_dim3A_91 = vector.shape_cast %broadcast_in_dim3A_79 : vector<1x1024xf32> to vector<1x1024xf32>
    %broadcast_in_dim3A_92 = vector.broadcast %broadcast_in_dim3A_91 : vector<1x1024xf32> to vector<8x1024xf32>
    %select_n3A_93 = arith.select %eq3A_83, %broadcast_in_dim3A_92, %select_n3A_90 : vector<8x1024xi1>, vector<8x1024xf32>
    %eq3A_94 = arith.constant 0 : i32
    %eq3A_95 = arith.cmpi eq, %arg0, %eq3A_94 : i32
    %convert_element_type3A_96 = arith.extui %eq3A_95 : i1 to i32
    %cond3A = arith.constant 0 : i32
    %cond3A_97 = arith.cmpi ne, %convert_element_type3A_96, %cond3A : i32
    scf.if %cond3A_97 {
      %swap3A_107 = arith.constant 0 : index
      %swap3A_108 = arith.constant 0 : index
      %swap3A_109 = vector.load %arg5[%swap3A_107, %swap3A_108] : memref<8x1024xf32, #tpu.memory_space<vmem>>, vector<8x1024xf32>
      tpu.vector_store %arg5[%swap3A_107, %swap3A_108], %select_n3A_93 {strides = array<i32>} : memref<8x1024xf32, #tpu.memory_space<vmem>>, vector<8x1024xf32>,
    } else {
    }
    %ne3A = arith.constant 0 : i32
    %ne3A_98 = arith.cmpi ne, %arg0, %ne3A : i32
    %convert_element_type3A_99 = arith.extui %ne3A_98 : i1 to i32
    %cond3A_100 = arith.constant 0 : i32
    %cond3A_101 = arith.cmpi ne, %convert_element_type3A_99, %cond3A_100 : i32
    scf.if %cond3A_101 {
      %get3A_107 = arith.constant 0 : index
      %get3A_108 = arith.constant 0 : index
      %get3A_109 = vector.load %arg5[%get3A_107, %get3A_108] : memref<8x1024xf32, #tpu.memory_space<vmem>>, vector<8x1024xf32>
      %add3A_110 = arith.addf %get3A_109, %select_n3A_93 : vector<8x1024xf32>
      %swap3A_111 = arith.constant 0 : index
      %swap3A_112 = arith.constant 0 : index
      %swap3A_113 = vector.load %arg5[%swap3A_111, %swap3A_112] : memref<8x1024xf32, #tpu.memory_space<vmem>>, vector<8x1024xf32>
      tpu.vector_store %arg5[%swap3A_111, %swap3A_112], %add3A_110 {strides = array<i32>} : memref<8x1024xf32, #tpu.memory_space<vmem>>, vector<8x1024xf32>,
    } else {
    }
    %eq3A_102 = arith.constant 97 : i32
    %eq3A_103 = arith.cmpi eq, %arg0, %eq3A_102 : i32
    %convert_element_type3A_104 = arith.extui %eq3A_103 : i1 to i32
    %cond3A_105 = arith.constant 0 : i32
    %cond3A_106 = arith.cmpi ne, %convert_element_type3A_104, %cond3A_105 : i32
    scf.if %cond3A_106 {
      %get3A_107 = arith.constant 0 : index
      %get3A_108 = arith.constant 0 : index
      %get3A_109 = vector.load %arg5[%get3A_107, %get3A_108] : memref<8x1024xf32, #tpu.memory_space<vmem>>, vector<8x1024xf32>
      %slice3A = vector.extract_strided_slice %get3A_109 {offsets = [0, 0], sizes = [1, 1024], strides = [1, 1]} : vector<8x1024xf32> to vector<1x1024xf32>
      %div3A = arith.constant 2.508800e+04 : f32
      %div3A_110 = vector.broadcast %div3A : f32 to vector<1x1024xf32>
      %div3A_111 = arith.divf %slice3A, %div3A_110 : vector<1x1024xf32>
      %add3A_112 = arith.constant 1.000000e-10 : f32
      %add3A_113 = vector.broadcast %add3A_112 : f32 to vector<1x1024xf32>
      %add3A_114 = arith.addf %div3A_111, %add3A_113 : vector<1x1024xf32>
      %log3A = math.log %add3A_114 : vector<1x1024xf32>
      %mul3A_115 = arith.mulf %div3A_111, %log3A : vector<1x1024xf32>
      %reduce_sum3A_116 = vector.shape_cast %mul3A_115 : vector<1x1024xf32> to vector<1x1x1024xf32>
      %reduce_sum3A_117 = arith.constant dense<0.000000e+00> : vector<1xf32>
      %reduce_sum3A_118 = vector.multi_reduction <add>, %reduce_sum3A_116, %reduce_sum3A_117 [1, 2] : vector<1x1x1024xf32> to vector<1xf32>
      %reduce_sum3A_119 = vector.shape_cast %reduce_sum3A_118 : vector<1xf32> to vector<1x1x1xf32>
      %reduce_sum3A_120 = vector.extract %reduce_sum3A_119[0, 0, 0] : f32 from vector<1x1x1xf32>
      %neg3A = arith.constant 0.000000e+00 : f32
      %neg3A_121 = arith.subf %neg3A, %reduce_sum3A_120 : f32
      %exp3A = math.exp %neg3A_121 : f32
      %slice3A_122 = vector.extract_strided_slice %get3A_109 {offsets = [1, 0], sizes = [1, 1024], strides = [1, 1]} : vector<8x1024xf32> to vector<1x1024xf32>
      %reduce_max3A = vector.shape_cast %slice3A_122 : vector<1x1024xf32> to vector<1x1x1024xf32>
      %reduce_max3A_123 = arith.constant dense<0xFF800000> : vector<1xf32>
      %reduce_max3A_124 = vector.multi_reduction <maximumf>, %reduce_max3A, %reduce_max3A_123 [1, 2] : vector<1x1x1024xf32> to vector<1xf32>
      %reduce_max3A_125 = vector.shape_cast %reduce_max3A_124 : vector<1xf32> to vector<1x1x1xf32>
      %reduce_max3A_126 = vector.extract %reduce_max3A_125[0, 0, 0] : f32 from vector<1x1x1xf32>
      %mul3A_127 = arith.constant 2.500000e-01 : f32
      %mul3A_128 = arith.mulf %mul3A_127, %reduce_max3A_126 : f32
      %mul3A_129 = arith.constant 2.508800e+04 : f32
      %mul3A_130 = arith.constant 1.280000e+02 : f32
      %mul3A_131 = arith.mulf %mul3A_129, %mul3A_130 : f32
      %div3A_132 = arith.divf %mul3A_128, %mul3A_131 : f32
      %eq3A_133 = arith.constant 2 : i32
      %eq3A_134 = vector.broadcast %eq3A_133 : i32 to vector<8x1024xi32>
      %eq3A_135 = arith.cmpi eq, %iota3A_80, %eq3A_134 : vector<8x1024xi32>
      %eq3A_136 = arith.constant 3 : i32
      %eq3A_137 = vector.broadcast %eq3A_136 : i32 to vector<8x1024xi32>
      %eq3A_138 = arith.cmpi eq, %iota3A_80, %eq3A_137 : vector<8x1024xi32>
      %broadcast_in_dim3A_139 = vector.broadcast %exp3A : f32 to vector<8x1024xf32>
      %select_n3A_140 = arith.select %eq3A_138, %broadcast_in_dim3A_139, %get3A_109 : vector<8x1024xi1>, vector<8x1024xf32>
      %broadcast_in_dim3A_141 = vector.broadcast %div3A_132 : f32 to vector<8x1024xf32>
      %select_n3A_142 = arith.select %eq3A_135, %broadcast_in_dim3A_141, %select_n3A_140 : vector<8x1024xi1>, vector<8x1024xf32>
      %swap3A_143 = arith.constant 0 : index
      %swap3A_144 = arith.constant 0 : index
      %swap3A_145 = vector.load %arg5[%swap3A_143, %swap3A_144] : memref<8x1024xf32, #tpu.memory_space<vmem>>, vector<8x1024xf32>
      tpu.vector_store %arg5[%swap3A_143, %swap3A_144], %select_n3A_142 {strides = array<i32>} : memref<8x1024xf32, #tpu.memory_space<vmem>>, vector<8x1024xf32>,
    } else {
    }
    return
  }
  func.func @transform_0(%arg0: i32) -> (i32, i32) {
    %c0_i32 = arith.constant 0 : i32
    %c0_i32_0 = arith.constant 0 : i32
    return %arg0, %c0_i32 : i32, i32
  }
  func.func @transform_1(%arg0: i32) -> (i32, i32) {
    %c0_i32 = arith.constant 0 : i32
    %c0_i32_0 = arith.constant 0 : i32
    %c0_i32_1 = arith.constant 0 : i32
    return %c0_i32, %c0_i32_0 : i32, i32
  }
  func.func @transform_2(%arg0: i32) -> (i32, i32, i32) {
    %c0_i32 = arith.constant 0 : i32
    %c0_i32_0 = arith.constant 0 : i32
    %c0_i32_1 = arith.constant 0 : i32
    return %arg0, %c0_i32, %c0_i32_0 : i32, i32, i32
  }
  func.func @transform_3(%arg0: i32) -> (i32, i32, i32) {
    %c0_i32 = arith.constant 0 : i32
    %c0_i32_0 = arith.constant 0 : i32
    %c0_i32_1 = arith.constant 0 : i32
    return %arg0, %c0_i32, %c0_i32_0 : i32, i32, i32
  }
  func.func @transform_4(%arg0: i32) -> (i32, i32) {
    %c0_i32 = arith.constant 0 : i32
    %c0_i32_0 = arith.constant 0 : i32
    %c0_i32_1 = arith.constant 0 : i32
    return %c0_i32, %c0_i32_0 : i32, i32
  }
}

</mosaic_0001>

<sc_bundles>
// kernel: kernel.4.cloned.1.call-start
scs
__scs_entry_jumppad:
0x0: {  	(pc) =	sbr.rel $0x88, $3  }
0x1: {  	(tag) =	ssettag $0x0;
	lr =	simm.s32 $0x1  }
0x2: {  	[smem:$0x3F79] =	sst lr;
	_ =	strace $0xD0000000  }
0x3: {  	_ = 	snop  }
0x4: {  	_ = 	snop  }
0x5: {  	_ = 	snop  }
0x6: {  	_ = 	snop  }
0x7: {  	_ = 	snop  }
__scs_overlays_trampoline_lowered:
0x8: {  	[smem:$0x3F88] =	sst s0  }
0x9: {  	[smem:$0x3F89] =	sst s1  }
0xa: {  	[smem:$0x3F8A] =	sst s2  }
0xb: {  	[smem:$0x3F8B] =	sst s3  }
0xc: {  	[smem:$0x3F8C] =	sst s4  }
0xd: {  	[smem:$0x3F8D] =	sst s5  }
0xe: {  	[smem:$0x3F8E] =	sst s6  }
0xf: {  	[smem:$0x3F8F] =	sst s7  }
0x10: {  	[smem:$0x3F90] =	sst s8  }
0x11: {  	[smem:$0x3F91] =	sst s9;
	s0 =	simm.s32 @!p0 $0x0  }
0x12: {  	s1 =	sld [smem:$0x3F77];
	s0 =	simm.s32 @p0 $0x1  }
0x13: {  	[smem:$0x3F92] =	sst s0;
	s0 =	simm.s32 @!p1 $0x0  }
0x14: {  	s2 =	sld [smem:$0x3F76];
	s0 =	simm.s32 @p1 $0x1  }
0x15: {  	[smem:$0x3F93] =	sst s0;
	s0 =	simm.s32 @!p2 $0x0  }
0x16: {  	s3 =	sld [smem:$0x3FDB];
	s0 =	simm.s32 @p2 $0x1  }
0x17: {  	s4 =	simm.s32 $0x1BF5;
	[smem:$0x3F95] =	sst s0  }
0x18: {  	s0 =	sld [smem:$0x3F78];
	_ =	swait.ge [sflag:s4], $0x0  }
0x19: {  	s7 =	sld [smem:$0x3F79]  }
0x1a: {  	s8 =	sadd.s32 $0xFFFFE003, lr  }
0x1b: {  	s9 =	sadd.s32 $0xFFFFFEF7, lr;
	s5 =	simm.s32 $0xFFFFFFFF;
	p2 =	slt.u32 s8, $0xFFFFF086  }
0x1c: {  	p1 =	slt.u32 s9, $0xF7A;
	s5 =	simm.s32 @!p2 $0x0  }
0x1d: {  	s5 =	simm.s32 @p1 $0x1;
	p0 =	seq.s32 s7, s2  }
0x1e: {  	s7 =	smul.u32 @!p0 $0xF7A, s2;
	p2 =	seq.s32 @!p0 s5, $0x0  }
0x1f: {  	s9 =	smul.u32 $0xF7A, s1;
	s8 =	simm.s32 @!p0 $0x1BF5;
	p2 =	por !p2, p0  }
0x20: {  	[sflag:s8] =	ssyncset.s32 @!p0 $0xFFFFF086;
	s6 =	sadd.s32 @!p0 s3, s7;
	s7 =	simm.s32 @!p0 $0x108  }
0x21: {  	s3 =	sadd.s32 s3, s9;
	s6 =	sadd.s32 @!p0 $0x88, s6;
	s7 =	simm.s32 @p2 $0x1082  }
0x22: {  	[simem:s7], [sflag:s8] =	dma.local @!p0 [hbm:s6], $0xF7A  }
0x23: {  	s9 =	sor.u32 $0xD0000000, s2;
	s6 =	simm.s32 $0x108;
	_ =	swait.ge @!p0 [sflag:s8], $0x0  }
0x24: {  	s3 =	sadd.s32 $0x88, s3;
	s6 =	simm.s32 @!p1 $0x1082;
	[sflag:s4] =	ssyncset.s32 $0xFFFFF086  }
0x25: {  	[simem:s6], [sflag:s4] =	dma.local [hbm:s3], $0xF7A  }
0x26: {  	[smem:$0x3F79] =	sst s1;
	(tag) =	ssettag s2;
	_ =	strace s9  }
0x27: {  	s1 =	sld [smem:$0x3F89]  }
0x28: {  	s2 =	sld [smem:$0x3F8A]  }
0x29: {  	s4 =	sld [smem:$0x3F8C]  }
0x2a: {  	p0 =	seq.s32 s5, $0x0;
	s5 =	sld [smem:$0x3F8D]  }
0x2b: {  	s6 =	sld [smem:$0x3F8E]  }
0x2c: {  	s7 =	sld [smem:$0x3F8F]  }
0x2d: {  	s3 =	simm.s32 $0x108;
	s8 =	sld [smem:$0x3F90]  }
0x2e: {  	s3 =	simm.s32 @!p0 $0x1082;
	s9 =	sld [smem:$0x3F91]  }
0x2f: {  	lr =	sadd.s32 s0, s3;
	s0 =	sld [smem:$0x3F88]  }
0x30: {  	s3 =	sld [smem:$0x3F8B]  }
0x31: {  	[smem:$0x3F94] =	sst s10  }
0x32: {  	s10 =	sld [smem:$0x3F92];
	_ =	sdelay $0x3  }
0x33: {  	p0 =	seq.s32 s10, $0x1;
	s10 =	sld [smem:$0x3F94];
	_ =	sdelay $0x3  }
0x34: {  	[smem:$0x3F94] =	sst s10  }
0x35: {  	s10 =	sld [smem:$0x3F93];
	_ =	sdelay $0x3  }
0x36: {  	p1 =	seq.s32 s10, $0x1;
	s10 =	sld [smem:$0x3F94];
	_ =	sdelay $0x3  }
0x37: {  	[smem:$0x3F94] =	sst s10  }
0x38: {  	s10 =	sld [smem:$0x3F95]  }
0x39: {  	_ = 	snop;
	(pc) =	sbr.ind lr, $3  }
0x3a: {  	_ = 	snop  }
0x3b: {  	_ = 	snop  }
0x3c: {  	p2 =	seq.s32 s10, $0x1;
	s10 =	sld [smem:$0x3F94]  }
0x3d: {  	_ =	shalt  }
0x3e: {  	_ =	shalt  }
0x3f: {  	_ =	shalt  }
0x40: {  	_ =	shalt  }
0x41: {  	_ =	shalt  }
0x42: {  	_ =	shalt  }
0x43: {  	_ =	shalt  }
0x44: {  	_ =	shalt  }
0x45: {  	_ =	shalt  }
0x46: {  	_ =	shalt  }
0x47: {  	_ =	shalt  }
0x48: {  	_ =	shalt  }
0x49: {  	_ =	shalt  }
0x4a: {  	_ =	shalt  }
0x4b: {  	_ =	shalt  }
0x4c: {  	_ =	shalt  }
0x4d: {  	_ =	shalt  }
0x4e: {  	_ =	shalt  }
0x4f: {  	_ =	shalt  }
0x50: {  	_ =	shalt  }
0x51: {  	_ =	shalt  }
0x52: {  	_ =	shalt  }
0x53: {  	_ =	shalt  }
0x54: {  	_ =	shalt  }
0x55: {  	_ =	shalt  }
0x56: {  	_ =	shalt  }
0x57: {  	_ =	shalt  }
0x58: {  	_ =	shalt  }
0x59: {  	_ =	shalt  }
0x5a: {  	_ =	shalt  }
0x5b: {  	_ =	shalt  }
0x5c: {  	_ =	shalt  }
0x5d: {  	_ =	shalt  }
0x5e: {  	_ =	shalt  }
0x5f: {  	_ =	shalt  }
0x60: {  	_ =	shalt  }
0x61: {  	_ =	shalt  }
0x62: {  	_ =	shalt  }
0x63: {  	_ =	shalt  }
0x64: {  	_ =	shalt  }
0x65: {  	_ =	shalt  }
0x66: {  	_ =	shalt  }
0x67: {  	_ =	shalt  }
0x68: {  	_ =	shalt  }
0x69: {  	_ =	shalt  }
0x6a: {  	_ =	shalt  }
0x6b: {  	_ =	shalt  }
0x6c: {  	_ =	shalt  }
0x6d: {  	_ =	shalt  }
0x6e: {  	_ =	shalt  }
0x6f: {  	_ =	shalt  }
0x70: {  	_ =	shalt  }
0x71: {  	_ =	shalt  }
0x72: {  	_ =	shalt  }
0x73: {  	_ =	shalt  }
0x74: {  	_ =	shalt  }
0x75: {  	_ =	shalt  }
0x76: {  	_ =	shalt  }
0x77: {  	_ =	shalt  }
0x78: {  	_ =	shalt  }
0x79: {  	_ =	shalt  }
0x7a: {  	_ =	shalt  }
0x7b: {  	_ =	shalt  }
0x7c: {  	_ =	shalt  }
0x7d: {  	_ =	shalt  }
0x7e: {  	_ =	shalt  }
0x7f: {  	_ =	shalt  }
0x80: {  	_ =	shalt  }
0x81: {  	_ =	shalt  }
0x82: {  	_ =	shalt  }
0x83: {  	_ =	shalt  }
0x84: {  	_ =	shalt  }
0x85: {  	_ =	shalt  }
0x86: {  	_ =	shalt  }
0x87: {  	_ =	shalt  }
.Lfunc_end0:
.L_simem_size_0:
called_computation_lowered:
.L_overlay_start_0:
0x88: {  	s2 =	sld [smem:$0x3FD9]  }
0x89: {  	s3 =	sld [smem:$0x3FFE];
	_ =	sdelay $0x1  }
0x8a: {  	s1 =	srdreg.scid  }
0x8b: {  	s0 =	sand.u32 $0x1, s1  }
0x8c: {  	s14 =	sshll.u32 s0, $0xA;
	s2 =	sadd.s32 s3, s2  }
0x8d: {  	s2 =	sadd.s32 s2, s14  }
0x8e: {  	[smem:$0x3FA0] =	sst s2  }
0x8f: {  	_ = 	snop  }
0x90: {  	s2 =	sld [smem:$0x3FD0];
	_ =	sdelay $0x2  }
0x91: {  	s4 =	simm.s32 $0xA;
	s5 =	simm.s32 $0x10;
	s15 =	sld [smem:$0x3FB6]  }
0x92: {  	[smem:s5], [sflag:s4] =	dma.local [hbm:s2], $0x1  }
0x93: {  	_ =	swait.eq [sflag:s4], $0x1  }
0x94: {  	[sflag:s4] =	ssyncset.done $0x0  }
0x95: {  	[sflag:s4] =	ssyncadd.s32 $0xFFFFFFFF  }
0x96: {  	s16 =	sld [smem:$0x11];
	(tm) =	ssettm $0x1  }
0x97: {  	s17 =	sld [smem:$0x3FFB];
	_ =	sdelay $0x3  }
0x98: {  	_ =	strace s17  }
0x99: {  	s4 =	sld [smem:$0x3FFC];
	_ =	sdelay $0x3  }
0x9a: {  	_ =	strace s4  }
0x9b: {  	s4 =	sld [smem:$0x3FFD];
	_ =	sdelay $0x3  }
0x9c: {  	_ =	strace s4  }
0x9d: {  	_ =	strace $0x8FFFFFFF  }
0x9e: {  	s18 =	sld [smem:$0x3FDB];
	_ =	sdelay $0x1  }
0x9f: {  	s19 =	simm.s32 $_scs_section_size  }
0xa0: {  	s6 =	simm.s32 $_size__tile_overlayer_lowered;
	s7 =	simm.s32 $_tile_overlayer_lowered  }
0xa1: {  	s22 =	simm.s32 $0x1BFF;
	s21 =	sshll.u32 s7, $0x1;
	s4 =	sadd.s32 s19, s18  }
0xa2: {  	s8 =	simm.s32 $0x0;
	s20 =	sshll.u32 s6, $0x1;
	s6 =	sadd.s32 s21, s4  }
0xa3: {  	[timem:s8], [sflag:s22] =	dma.local [hbm:s6], s20  }
0xa4: {  	_ =	swait.ge [sflag:s22], s20  }
0xa5: {  	s5 =	ssub.s32 $0x0, s20;
	[sflag:s22] =	ssyncset.done $0x0  }
0xa6: {  	[sflag:s22] =	ssyncadd.s32 s5;
	_ =	sdelay $0x1  }
0xa7: {  	s23 =	simm.s32 $0x1B8B  }
0xa8: {  	_ =	swait.ge [sflag:s23], $0x1  }
0xa9: {  	[sflag:s23] =	ssyncset.done $0x0  }
0xaa: {  	s25 =	simm.s32 $0x1B8E;
	s24 =	sld [smem:$0x3FFE];
	[sflag:s23] =	ssyncadd.s32 $0xFFFFFFFF  }
0xab: {  	s26 =	simm.s32 $execute0_lowered;
	[smem:$0x3FD2] =	sst s25  }
0xac: {  	s6 =	sshll.u32 s26, $0x1;
	_ =	strace $0x80000046;
	[dreg:$0x1] =	wrdreg $0xFFFFFFFF  }
0xad: {  	s28 =	simm.s32 $_size_execute0_lowered;
	s4 =	sadd.s32 s4, s6;
	[dreg:$0x0] =	wrdreg $0x0  }
0xae: {  	s6 =	sshll.u32 s28, $0x1;
	[dreg:$0x2] =	wrdreg s4  }
0xaf: {  	[dreg:$0x3] =	wrdreg s6  }
0xb0: {  	[dreg:$0x4] =	wrdreg $0xC0  }
0xb1: {  	_ =	task [dreg:s8], $0x5FFFF  }
0xb2: {  	[dreg:$0x1] =	wrdreg $0xFFFFFFFF  }
0xb3: {  	[dreg:$0x0] =	wrdreg $0x60  }
0xb4: {  	[dreg:$0x2] =	wrdreg s15  }
0xb5: {  	[dreg:$0x3] =	wrdreg s16  }
0xb6: {  	[dreg:$0x4] =	wrdreg s24  }
0xb7: {  	[dreg:$0x5] =	wrdreg $0x18B800  }
0xb8: {  	[dreg:$0x6] =	wrdreg $0x9  }
0xb9: {  	_ =	task.clear_ibuf [dreg:s8], $0x7FFFF;
	_ =	strace $0x90000046  }
0xba: {  	s29 =	simm.s32 $0x9;
	_ =	strace $0x80000048  }
0xbb: {  	_ =	swait.ge [sflag:s29], $0x1  }
0xbc: {  	[sflag:s29] =	ssyncadd.s32 $0xFFFFFFFF  }
0xbd: {  	_ =	strace $0x90000048  }
0xbe: {  	_ =	sfence  }
0xbf: {  	s30 =	sld [smem:$0x0];
	_ =	sdelay $0x2  }
0xc0: {  	s31 =	sshll.u32 s1, $0xD;
	s1 =	sshrl.u32 s1, $0x2  }
0xc1: {  	s3 =	sand.u32 $0x4000, s31;
	s1 =	sadd.s32 s1, s30  }
0xc2: {  	s0 =	sor.u32 s3, s0;
	s1 =	sshll.u32 s1, $0x11  }
0xc3: {  	s0 =	sor.u32 s1, s0  }
0xc4: {  	s0 =	sadd.s32 $0x8F2B, s0  }
0xc5: {  	[sflag:s0] =	ssyncadd.remote.s32 $0x1  }
0xc6: {  	_ =	sfence.sel $0xFFFF  }
0xc7: {  	[dreg:$0x0] =	wrdreg $0xFFFFFFFF;
	(pc) =	sbr.abs _section_cstart, $3  }
0xc8: {  	[dreg:$0x1] =	wrdreg $0xFFFFFFFF  }
0xc9: {  	_ =	task.clear_ibuf [dreg:s8], $0x2FFFF;
	_ =	strace $0x9FFFFFFF  }
0xca: {  	(tm) =	ssettm $0x7FFFFFFF  }
0xcb: {  	_ =	shalt  }
tec
execute0_lowered:
.L_overlay_start_1:
0x0: {  	(tag) =	ssettag $0x1  }
0x1: {  	s4 =	rddreg [dreg:$0x0]  }
0x2: {  	s8 =	rddreg [dreg:$0x1]  }
0x3: {  	s23 =	rddreg [dreg:$0x2]  }
0x4: {  	s2 =	rddreg [dreg:$0x3]  }
0x5: {  	s0 =	rddreg [dreg:$0x4];
	s3 =	simm.s32 $0x0;
	s5 =	srdreg.scid  }
0x6: {  	s1 =	stileid.u32;
	[smem:$0x7FF] =	sst s3  }
0x7: {  	s24 =	sand.u32 $0x1, s5;
	s29 =	sshll.u32 s1, $0x1;
	s30 =	sshll.u32 s1, $0xD  }
0x8: {  	s6 =	sshll.u32 s1, $0xA;
	s31 =	sshll.u32 s1, $0x6;
	_ =	strace $0x80000047  }
0x9: {  	s25 =	sor.u32 s24, s29;
	s7 =	sadd.s32 s30, s2;
	s4 =	sadd.s32 s4, s6  }
0xa: {  	s5 =	sor.u32 $0x1C02, s31;
	s6 =	simm.s32 $0x2;
	s7 =	sshrl.u32 s7, $0x3  }
0xb: {  	[spmem:s7], [sflag:s5] =	dma.local [hbm:s4], $0x400  }
0xc: {  	s9 =	smul.u32 $0x62, s25;
	_ =	swait.ge [sflag:s6], $0x400  }
0xd: {  	[sflag:s6] =	ssyncset.done $0x0  }
0xe: {  	s8 =	sadd.s32 s8, s9;
	[sflag:s6] =	ssyncadd.s32 $0xFFFFFC00  }
0xf: {  	[tilespmem:s3], [sflag:$0x2] =	stream.linear.gather [hbm4b:s8+s3], $0x310, $0x38;
	[tilespmem:$0x1AB80] =	vst v63  }
0x10: {  	_ =	swait.ge [sflag:s6], $0x310  }
0x11: {  	[sflag:s6] =	ssyncset.done $0x0  }
0x12: {  	[sflag:s6] =	ssyncadd.s32 $0xFFFFFCF0  }
0x13: {  	s10 =	simm.s32 $0x380;
	s9 =	simm.s32 $0x70;
	[bflag:$0x0] =	sbarrier.arrive $0xFFFF  }
0x14: {  	[tilespmem:s10], [sflag:$0x1] =	stream.indirect.gather [spmem:s2], $0x80, s3, s9, $0xb8;
	[tilespmem:$0x1AB80] =	vst v63  }
0x15: {  	s11 =	simm.s32 $0x3B80  }
0x16: {  	[tilespmem:s11], [sflag:$0x1] =	stream.indirect.gather [spmem:s2], $0x80, s9, s9, $0xb8;
	[tilespmem:$0x1AB80] =	vst v63  }
0x17: {  	s12 =	simm.s32 $0xE0;
	s13 =	simm.s32 $0x7380  }
0x18: {  	[tilespmem:s13], [sflag:$0x1] =	stream.indirect.gather [spmem:s2], $0x80, s12, s9, $0xb8;
	[tilespmem:$0x1AB80] =	vst v63  }
0x19: {  	s14 =	simm.s32 $0x150;
	s15 =	simm.s32 $0xAB80  }
0x1a: {  	[tilespmem:s15], [sflag:$0x1] =	stream.indirect.gather [spmem:s2], $0x80, s14, s9, $0xb8;
	[tilespmem:$0x1AB80] =	vst v63  }
0x1b: {  	s16 =	simm.s32 $0x1C0;
	s17 =	simm.s32 $0xE380  }
0x1c: {  	[tilespmem:s17], [sflag:$0x1] =	stream.indirect.gather [spmem:s2], $0x80, s16, s9, $0xb8;
	[tilespmem:$0x1AB80] =	vst v63  }
0x1d: {  	s18 =	simm.s32 $0x230;
	s19 =	simm.s32 $0x11B80  }
0x1e: {  	[tilespmem:s19], [sflag:$0x1] =	stream.indirect.gather [spmem:s2], $0x80, s18, s9, $0xb8;
	[tilespmem:$0x1AB80] =	vst v63  }
0x1f: {  	s20 =	simm.s32 $0x2A0;
	s21 =	simm.s32 $0x15380;
	s22 =	simm.s32 $0x1  }
0x20: {  	[tilespmem:s21], [sflag:$0x1] =	stream.indirect.gather [spmem:s2], $0x80, s20, s9, $0xb8;
	[tilespmem:$0x1AB80] =	vst v63  }
0x21: {  	_ =	swait.ge [sflag:s22], $0x3800  }
0x22: {  	[sflag:s22] =	ssyncset.done $0x0  }
0x23: {  	[sflag:s22] =	ssyncadd.s32 $0xFFFFC800  }
0x24: {  	_ =	swait.ge [sflag:s22], $0x3800  }
0x25: {  	[sflag:s22] =	ssyncset.done $0x0  }
0x26: {  	[sflag:s22] =	ssyncadd.s32 $0xFFFFC800  }
0x27: {  	_ =	swait.ge [sflag:s22], $0x3800  }
0x28: {  	[sflag:s22] =	ssyncset.done $0x0  }
0x29: {  	[sflag:s22] =	ssyncadd.s32 $0xFFFFC800  }
0x2a: {  	_ =	swait.ge [sflag:s22], $0x3800  }
0x2b: {  	[sflag:s22] =	ssyncset.done $0x0  }
0x2c: {  	[sflag:s22] =	ssyncadd.s32 $0xFFFFC800  }
0x2d: {  	_ =	swait.ge [sflag:s22], $0x3800  }
0x2e: {  	[sflag:s22] =	ssyncset.done $0x0  }
0x2f: {  	s24 =	ssub.s32 $0x2, s24;
	[sflag:s22] =	ssyncadd.s32 $0xFFFFC800  }
0x30: {  	s26 =	sshrl.u32 s24, $0x1;
	_ =	swait.ge [sflag:s22], $0x3800  }
0x31: {  	s24 =	ssub.s32 s24, s26;
	[sflag:s22] =	ssyncset.done $0x0  }
0x32: {  	s25 =	smul.u32 $0x3100, s25;
	s24 =	smax.u32 s24, $0x1;
	[sflag:s22] =	ssyncadd.s32 $0xFFFFC800  }
0x33: {  	p0 =	sne.s32 s24, $0x1;
	_ =	swait.ge [sflag:s22], $0x3800  }
.Ltmp0:
0x34: {  	s23 =	sadd.s32 s25, s23;
	[sflag:s22] =	ssyncset.done $0x0;
	(pc) =	sbr.rel @!p0 .LBB2_2-.Ltmp0, $4  }
0x35: {  	s23 =	sadd.s32 $0x5400, s23;
	[sflag:s22] =	ssyncadd.s32 $0xFFFFC800  }
0x36: {  	[hbm4b:s23+s3] =	stream.linear.scatter [tilespmem:s10], [sflag:$0x2], $0x18800, $0x38;
	[tilespmem:$0x1AB80] =	vst v63  }
0x37: {  	_ =	swait.ge [sflag:s6], $0x18800  }
0x38: {  	s24 =	sadd.s32 $0xFFFFFFFF, s24;
	[sflag:s6] =	ssyncset.done $0x0  }
.LBB2_1:
0x39: {  	p0 =	sne.s32 s24, $0x1;
	s24 =	sadd.s32 $0xFFFFFFFF, s24;
	[sflag:s6] =	ssyncadd.s32 $0xFFFE7800  }
0x3a: {  	[spmem:s7], [sflag:s5] =	dma.local [hbm:s4], $0x400  }
0x3b: {  	_ =	swait.ge [sflag:s6], $0x400  }
0x3c: {  	[sflag:s6] =	ssyncset.done $0x0  }
0x3d: {  	[sflag:s6] =	ssyncadd.s32 $0xFFFFFC00  }
0x3e: {  	[tilespmem:s3], [sflag:$0x2] =	stream.linear.gather [hbm4b:s8+s3], $0x310, $0x38;
	[tilespmem:$0x1AB80] =	vst v63  }
0x3f: {  	_ =	swait.ge [sflag:s6], $0x310  }
0x40: {  	[sflag:s6] =	ssyncset.done $0x0  }
0x41: {  	[sflag:s6] =	ssyncadd.s32 $0xFFFFFCF0  }
0x42: {  	[bflag:$0x0] =	sbarrier.arrive $0xFFFF  }
0x43: {  	[tilespmem:s10], [sflag:$0x1] =	stream.indirect.gather [spmem:s2], $0x80, s3, s9, $0xb8;
	[tilespmem:$0x1AB80] =	vst v63  }
0x44: {  	_ = 	snop  }
0x45: {  	[tilespmem:s11], [sflag:$0x1] =	stream.indirect.gather [spmem:s2], $0x80, s9, s9, $0xb8;
	[tilespmem:$0x1AB80] =	vst v63  }
0x46: {  	_ = 	snop  }
0x47: {  	[tilespmem:s13], [sflag:$0x1] =	stream.indirect.gather [spmem:s2], $0x80, s12, s9, $0xb8;
	[tilespmem:$0x1AB80] =	vst v63  }
0x48: {  	_ = 	snop  }
0x49: {  	[tilespmem:s15], [sflag:$0x1] =	stream.indirect.gather [spmem:s2], $0x80, s14, s9, $0xb8;
	[tilespmem:$0x1AB80] =	vst v63  }
0x4a: {  	_ = 	snop  }
0x4b: {  	[tilespmem:s17], [sflag:$0x1] =	stream.indirect.gather [spmem:s2], $0x80, s16, s9, $0xb8;
	[tilespmem:$0x1AB80] =	vst v63  }
0x4c: {  	_ = 	snop  }
0x4d: {  	[tilespmem:s19], [sflag:$0x1] =	stream.indirect.gather [spmem:s2], $0x80, s18, s9, $0xb8;
	[tilespmem:$0x1AB80] =	vst v63  }
0x4e: {  	_ = 	snop  }
0x4f: {  	[tilespmem:s21], [sflag:$0x1] =	stream.indirect.gather [spmem:s2], $0x80, s20, s9, $0xb8;
	[tilespmem:$0x1AB80] =	vst v63  }
0x50: {  	_ =	swait.ge [sflag:s22], $0x3800  }
0x51: {  	[sflag:s22] =	ssyncset.done $0x0  }
0x52: {  	[sflag:s22] =	ssyncadd.s32 $0xFFFFC800  }
0x53: {  	_ =	swait.ge [sflag:s22], $0x3800  }
0x54: {  	[sflag:s22] =	ssyncset.done $0x0  }
0x55: {  	[sflag:s22] =	ssyncadd.s32 $0xFFFFC800  }
0x56: {  	_ =	swait.ge [sflag:s22], $0x3800  }
0x57: {  	[sflag:s22] =	ssyncset.done $0x0  }
0x58: {  	[sflag:s22] =	ssyncadd.s32 $0xFFFFC800  }
0x59: {  	_ =	swait.ge [sflag:s22], $0x3800  }
0x5a: {  	[sflag:s22] =	ssyncset.done $0x0  }
0x5b: {  	[sflag:s22] =	ssyncadd.s32 $0xFFFFC800  }
0x5c: {  	_ =	swait.ge [sflag:s22], $0x3800  }
0x5d: {  	[sflag:s22] =	ssyncset.done $0x0  }
0x5e: {  	[sflag:s22] =	ssyncadd.s32 $0xFFFFC800  }
0x5f: {  	_ =	swait.ge [sflag:s22], $0x3800  }
0x60: {  	[sflag:s22] =	ssyncset.done $0x0  }
0x61: {  	[sflag:s22] =	ssyncadd.s32 $0xFFFFC800  }
0x62: {  	_ =	swait.ge [sflag:s22], $0x3800  }
.Ltmp1:
0x63: {  	[sflag:s22] =	ssyncset.done $0x0;
	(pc) =	sbr.rel @p0 .LBB2_1-.Ltmp1, $4  }
0x64: {  	[sflag:s22] =	ssyncadd.s32 $0xFFFFC800  }
0x65: {  	[hbm4b:s23+s3] =	stream.linear.scatter [tilespmem:s10], [sflag:$0x2], $0x18800, $0x38;
	[tilespmem:$0x1AB80] =	vst v63  }
0x66: {  	_ =	swait.ge [sflag:s6], $0x18800  }
0x67: {  	[sflag:s6] =	ssyncset.done $0x0  }
.LBB2_2:
0x68: {  	[sflag:s6] =	ssyncadd.s32 $0xFFFE7800  }
0x69: {  	_ =	sfence.sel $0x180000  }
0x6a: {  	[bflag:$0x0] =	sbarrier.arrive $0xFFFF  }
0x6b: {  	p0 =	sne.s32 s1, $0x0;
	_ =	strace $0x90000047  }
0x6c: {  	s0 =	sadd.s32 @!p0 $0x100000, s0;
	[bflag:$0x2] =	sbarrier.arrive $0xFFFF  }
0x6d: {  	[sflag:s0] =	ssyncadd.tile.s32 @!p0 $0x1;
	_ =	shalt  }
.Lfunc_end2:
_tile_overlayer_lowered:
.L_overlay_start_2:
0x6e: {  	(tag) =	ssettag $0x2  }
0x6f: {  	s0 =	rddreg [dreg:$0x0];
	s2 =	stileid.u32  }
0x70: {  	s1 =	rddreg [dreg:$0x1];
	p0 =	sne.s32 s2, $0x0  }
0x71: {  	s3 =	rddreg [dreg:$0x2];
	[bflag:$0x3] =	sbarrier.arrive $0xFFFF;
	s2 =	simm.s32 @!p0 $0x1C02  }
0x72: {  	[timem:s3], [sflag:s2] =	dma.local @!p0 [hbm:s0], s1  }
0x73: {  	s0 =	simm.s32 @!p0 $0x2  }
0x74: {  	_ =	swait.ge @!p0 [sflag:s0], s1  }
0x75: {  	s1 =	ssub.s32 @!p0 $0x0, s1;
	[sflag:s0] =	ssyncset.done @!p0 $0x0  }
0x76: {  	[sflag:s0] =	ssyncadd.s32 @!p0 s1  }
0x77: {  	[bflag:$0x3] =	sbarrier.arrive $0xFFFF  }
0x78: {  	_ =	shalt  }

</sc_bundles>
